<compile_context>
chip_gen: v7x
topology: tpu7x:2x2x1
jax: 0.10.2.dev20260603
libtpu: 0.0.44.dev20260713+nightly
codegen_flags: <defaults>
</compile_context>

<pallas_src>
import jax
import jax.numpy as jnp
from jax import lax
from jax.experimental import pallas as pl
from jax.experimental.pallas import tpu as pltpu
from jax.experimental.pallas import tpu_sc as plsc

PI = 3.141592653589793
GAMMA = 9.0
EMB_RANGE = 0.34375

B = 1024
D = 32
H = D // 2

_NC, _NS = 2, 16
_NW = _NC * _NS
_BPW = B // _NW


def _sc_gather_body(ent_hbm, tix_hbm, etab_hbm, ttab_hbm, e_out, t_out,
                    eidx_v, erows_v, tidx_v, trows_v, sem):
    wid = lax.axis_index("s") * _NC + lax.axis_index("c")
    base = wid * _BPW
    pltpu.sync_copy(ent_hbm.at[pl.ds(base, _BPW)], eidx_v)
    pltpu.sync_copy(tix_hbm.at[pl.ds(base, _BPW)], tidx_v)
    ecp = pltpu.async_copy(etab_hbm.at[eidx_v], erows_v, sem)
    tcp = pltpu.async_copy(ttab_hbm.at[tidx_v], trows_v, sem)
    ecp.wait()
    tcp.wait()
    pltpu.sync_copy(erows_v, e_out.at[pl.ds(base, _BPW)])
    pltpu.sync_copy(trows_v, t_out.at[pl.ds(base, _BPW)])


_sc_gather_cache = []


def _sc_gather(*a):
    if not _sc_gather_cache:
        _sc_gather_cache.append(pl.kernel(
            _sc_gather_body,
            out_type=[jax.ShapeDtypeStruct((B, D), jnp.float32),
                      jax.ShapeDtypeStruct((B, D), jnp.float32)],
            mesh=plsc.VectorSubcoreMesh(core_axis_name="c",
                                        subcore_axis_name="s"),
            compiler_params=pltpu.CompilerParams(use_tc_tiling_on_sc=False),
            scratch_types=[
                pltpu.VMEM((_BPW,), jnp.int32),
                pltpu.VMEM((_BPW, D), jnp.float32),
                pltpu.VMEM((_BPW,), jnp.int32),
                pltpu.VMEM((_BPW, D), jnp.float32),
                pltpu.SemaphoreType.DMA,
            ],
        ))
    return _sc_gather_cache[0](*a)


_BI = 128


def _fused_body(e_ref, t_ref, mw_ref, pw_ref, out_ref, mod_s, ph_s):
    i = pl.program_id(0)

    @pl.when(i == 0)
    def _():
        e = e_ref[...]
        t = t_ref[...]
        s = PI / EMB_RANGE
        dr = (e[:, :H] - t[:, :H]) * s
        di = (e[:, H:] - t[:, H:]) * s
        mod_s[...] = jnp.sqrt(dr * dr + di * di) * mw_ref[0] - GAMMA
        ph = jnp.sum(jnp.cos(dr) * jnp.cos(di), axis=1) * pw_ref[0]
        ph_s[...] = ph[None, :]

    mod_blk = mod_s[pl.ds(i * _BI, _BI), :]
    out_ref[...] = mod_blk[:, :, None] + ph_s[...][None, :, :]


_fused_call = pl.pallas_call(
    _fused_body,
    grid=(B // _BI,),
    in_specs=[
        pl.BlockSpec((B, D), lambda i: (0, 0)),
        pl.BlockSpec((B, D), lambda i: (0, 0)),
        pl.BlockSpec(memory_space=pltpu.SMEM),
        pl.BlockSpec(memory_space=pltpu.SMEM),
    ],
    out_specs=pl.BlockSpec((_BI, H, B), lambda i: (i, 0, 0)),
    out_shape=jax.ShapeDtypeStruct((B, H, B), jnp.float32),
    scratch_shapes=[
        pltpu.VMEM((B, H), jnp.float32),
        pltpu.VMEM((1, B), jnp.float32),
    ],
)


def kernel(ent, type_idx, ent_table, type_table, modulus_weight, phase_weight):
    ent = ent.astype(jnp.int32)
    type_idx = type_idx.astype(jnp.int32)
    e, t = _sc_gather(ent, type_idx, ent_table, type_table)
    out3 = _fused_call(e, t, modulus_weight, phase_weight)
    return out3.transpose(0, 2, 1)

# --- scband reference (transcript-rebuilt; emitter-appended) ---
"""Pipeline reference for scband-compound-e-type-16552803959071 (READ-ONLY COPY).

The authoritative reference and input builder live on the scoring server;
editing this copy changes nothing except your own understanding.
"""

import jax, jax.numpy as jnp
import numpy as np

PI = 3.141592653589793
GAMMA = 9.0
EMB_RANGE = 0.34375
EMB_RANGE_TYPE = 0.34375

NUM_ENT = 100000
NUM_TYPE = 1000
EMB_DIM = 32
BATCH = 1024


def setup_inputs(seed: int = 0) -> dict:
    key = jax.random.key(seed)
    k1, k2, k3, k4 = jax.random.split(key, 4)
    ent = jax.random.randint(k1, (BATCH,), 0, NUM_ENT)
    type_idx = jax.random.randint(k2, (BATCH,), 0, NUM_TYPE)
    ent_table = jax.random.uniform(k3, (NUM_ENT, EMB_DIM), dtype=jnp.float32, minval=-EMB_RANGE, maxval=EMB_RANGE)
    type_table = jax.random.uniform(k4, (NUM_TYPE, EMB_DIM), dtype=jnp.float32, minval=-EMB_RANGE_TYPE, maxval=EMB_RANGE_TYPE)
    modulus_weight = jnp.array([1.0], dtype=jnp.float32)
    phase_weight = jnp.array([0.5], dtype=jnp.float32)
    return {
        "ent": ent,
        "type_idx": type_idx,
        "ent_table": ent_table,
        "type_table": type_table,
        "modulus_weight": modulus_weight,
        "phase_weight": phase_weight,
    }


def reference(ent, type_idx, ent_table, type_table, modulus_weight, phase_weight):
    # batch_type == 0 path of CompoundE_type.embed
    e = jnp.take(ent_table, ent, axis=0)[:, None, :]   # [B, 1, d]
    t = jnp.take(type_table, type_idx, axis=0)[:, None, :]  # [B, 1, d]

    real_ent, imag_ent = jnp.split(e, 2, axis=2)   # [B, 1, d/2] each
    real_type, imag_type = jnp.split(t, 2, axis=2)

    real_ent = real_ent / (EMB_RANGE / PI)
    imag_ent = imag_ent / (EMB_RANGE / PI)
    real_type = real_type / (EMB_RANGE_TYPE / PI)
    imag_type = imag_type / (EMB_RANGE_TYPE / PI)

    mod_score = (real_ent - real_type) ** 2 + (imag_ent - imag_type) ** 2
    mod_score = jnp.sqrt(mod_score) * modulus_weight          # [B, 1, d/2]

    phase_score = jnp.cos(real_ent - real_type) * jnp.cos(imag_ent - imag_type)
    phase_score = jnp.sum(phase_score, axis=2) * phase_weight  # [B, 1]

    # Faithful to torch broadcasting: (B,1) + (B,1,d/2) -> (B, B, d/2)
    score = -(GAMMA - (phase_score + mod_score))
    return score

if __name__ == "__main__":
    import jax
    _d = setup_inputs()
    print(jax.jit(kernel)(*tuple(_d.values())))

</pallas_src>

<mosaic_0001>
#map = affine_map<(d0, d1) -> (0)>
#map1 = affine_map<(d0, d1) -> (0, 0)>
module attributes {stable_mosaic.version = 14 : i64} {
  func.func @_sc_gather_body(%arg0: i32, %arg1: i32, %arg2: memref<1024xi32, #tpu.memory_space<hbm>>, %arg3: memref<1024xi32, #tpu.memory_space<hbm>>, %arg4: memref<100000x32xf32, #tpu.memory_space<hbm>>, %arg5: memref<1000x32xf32, #tpu.memory_space<hbm>>, %arg6: memref<1024x32xf32, #tpu.memory_space<hbm>>, %arg7: memref<1024x32xf32, #tpu.memory_space<hbm>>, %arg8: memref<32xi32, #tpu.memory_space<vmem>>, %arg9: memref<32x32xf32, #tpu.memory_space<vmem>>, %arg10: memref<32xi32, #tpu.memory_space<vmem>>, %arg11: memref<32x32xf32, #tpu.memory_space<vmem>>, %arg12: memref<!tpu.dma_semaphore, #tpu.memory_space<semaphore_mem>>) attributes {dimension_semantics = [#tpu.dimension_semantics<core_parallel>, #tpu.dimension_semantics<subcore_parallel>], iteration_bounds = array<i64: 2, 16>, scalar_prefetch = 0 : i64, scratch_operands = 5 : i64, tpu.core_type = #tpu.core_type<sc_vector_subcore>, window_params = [{transform_indices = #map}, {transform_indices = #map}, {transform_indices = #map1}, {transform_indices = #map1}, {transform_indices = #map1}, {transform_indices = #map1}]} {
    %mul3A = arith.constant 2 : i32
    %mul3A_0 = arith.muli %arg1, %mul3A : i32
    %add3A = arith.addi %mul3A_0, %arg0 : i32
    %mul3A_1 = arith.constant 32 : i32
    %mul3A_2 = arith.muli %add3A, %mul3A_1 : i32
    "tpu.region"() ({
      %run_scoped3A = tpu.sem_alloc : memref<!tpu.dma_semaphore, #tpu.memory_space<semaphore_mem>>
      %dma_start3A_13 = tpu.memref_slice %arg2[%mul3A_2] : memref<1024xi32, #tpu.memory_space<hbm>> -> memref<32xi32, #tpu.memory_space<hbm>>
      %dma_start3A_14 = tpu.memref_slice %arg2[%mul3A_2] : memref<1024xi32, #tpu.memory_space<hbm>> -> memref<32xi32, #tpu.memory_space<hbm>>
      tpu.enqueue_dma source(%dma_start3A_14 : memref<32xi32, #tpu.memory_space<hbm>>) target(%arg8 : memref<32xi32, #tpu.memory_space<vmem>>) target_semaphore(%run_scoped3A : memref<!tpu.dma_semaphore, #tpu.memory_space<semaphore_mem>>)
      %dma_wait3A_15 = tpu.memref_slice %arg2[%mul3A_2] : memref<1024xi32, #tpu.memory_space<hbm>> -> memref<32xi32, #tpu.memory_space<hbm>>
      %dma_wait3A_16 = tpu.memref_slice %arg2[%mul3A_2] : memref<1024xi32, #tpu.memory_space<hbm>> -> memref<32xi32, #tpu.memory_space<hbm>>
      tpu.wait_dma2 semaphore(%run_scoped3A : memref<!tpu.dma_semaphore, #tpu.memory_space<semaphore_mem>>) src(%dma_wait3A_16 : memref<32xi32, #tpu.memory_space<hbm>>) dst(%arg8 : memref<32xi32, #tpu.memory_space<vmem>>)
      tpu.yield
    }) : () -> ()
    "tpu.region"() ({
      %run_scoped3A = tpu.sem_alloc : memref<!tpu.dma_semaphore, #tpu.memory_space<semaphore_mem>>
      %dma_start3A_13 = tpu.memref_slice %arg3[%mul3A_2] : memref<1024xi32, #tpu.memory_space<hbm>> -> memref<32xi32, #tpu.memory_space<hbm>>
      %dma_start3A_14 = tpu.memref_slice %arg3[%mul3A_2] : memref<1024xi32, #tpu.memory_space<hbm>> -> memref<32xi32, #tpu.memory_space<hbm>>
      tpu.enqueue_dma source(%dma_start3A_14 : memref<32xi32, #tpu.memory_space<hbm>>) target(%arg10 : memref<32xi32, #tpu.memory_space<vmem>>) target_semaphore(%run_scoped3A : memref<!tpu.dma_semaphore, #tpu.memory_space<semaphore_mem>>)
      %dma_wait3A_15 = tpu.memref_slice %arg3[%mul3A_2] : memref<1024xi32, #tpu.memory_space<hbm>> -> memref<32xi32, #tpu.memory_space<hbm>>
      %dma_wait3A_16 = tpu.memref_slice %arg3[%mul3A_2] : memref<1024xi32, #tpu.memory_space<hbm>> -> memref<32xi32, #tpu.memory_space<hbm>>
      tpu.wait_dma2 semaphore(%run_scoped3A : memref<!tpu.dma_semaphore, #tpu.memory_space<semaphore_mem>>) src(%dma_wait3A_16 : memref<32xi32, #tpu.memory_space<hbm>>) dst(%arg10 : memref<32xi32, #tpu.memory_space<vmem>>)
      tpu.yield
    }) : () -> ()
    %dma_start3A = arith.constant 0 : i32
    %dma_start3A_3 = arith.constant 0 : i32
    %dma_start3A_4 = tpu.memref_slice %arg4[%dma_start3A, %dma_start3A_3] : memref<100000x32xf32, #tpu.memory_space<hbm>> -> memref<100000x32xf32, #tpu.memory_space<hbm>>
    tpu.enqueue_indirect_dma source(%dma_start3A_4 : memref<100000x32xf32, #tpu.memory_space<hbm>>) target(%arg9 : memref<32x32xf32, #tpu.memory_space<vmem>>) offsets(%arg8 : memref<32xi32, #tpu.memory_space<vmem>>) semaphore(%arg12 : memref<!tpu.dma_semaphore, #tpu.memory_space<semaphore_mem>>)
    %dma_start3A_5 = arith.constant 0 : i32
    %dma_start3A_6 = arith.constant 0 : i32
    %dma_start3A_7 = tpu.memref_slice %arg5[%dma_start3A_5, %dma_start3A_6] : memref<1000x32xf32, #tpu.memory_space<hbm>> -> memref<1000x32xf32, #tpu.memory_space<hbm>>
    tpu.enqueue_indirect_dma source(%dma_start3A_7 : memref<1000x32xf32, #tpu.memory_space<hbm>>) target(%arg11 : memref<32x32xf32, #tpu.memory_space<vmem>>) offsets(%arg10 : memref<32xi32, #tpu.memory_space<vmem>>) semaphore(%arg12 : memref<!tpu.dma_semaphore, #tpu.memory_space<semaphore_mem>>)
    %dma_wait3A = arith.constant 0 : i32
    %dma_wait3A_8 = arith.constant 0 : i32
    %dma_wait3A_9 = tpu.memref_slice %arg4[%dma_wait3A, %dma_wait3A_8] : memref<100000x32xf32, #tpu.memory_space<hbm>> -> memref<100000x32xf32, #tpu.memory_space<hbm>>
    tpu.wait_indirect_dma semaphore(%arg12 : memref<!tpu.dma_semaphore, #tpu.memory_space<semaphore_mem>>) src(%dma_wait3A_9 : memref<100000x32xf32, #tpu.memory_space<hbm>>) dst(%arg9 : memref<32x32xf32, #tpu.memory_space<vmem>>)
    %dma_wait3A_10 = arith.constant 0 : i32
    %dma_wait3A_11 = arith.constant 0 : i32
    %dma_wait3A_12 = tpu.memref_slice %arg5[%dma_wait3A_10, %dma_wait3A_11] : memref<1000x32xf32, #tpu.memory_space<hbm>> -> memref<1000x32xf32, #tpu.memory_space<hbm>>
    tpu.wait_indirect_dma semaphore(%arg12 : memref<!tpu.dma_semaphore, #tpu.memory_space<semaphore_mem>>) src(%dma_wait3A_12 : memref<1000x32xf32, #tpu.memory_space<hbm>>) dst(%arg11 : memref<32x32xf32, #tpu.memory_space<vmem>>)
    "tpu.region"() ({
      %run_scoped3A = tpu.sem_alloc : memref<!tpu.dma_semaphore, #tpu.memory_space<semaphore_mem>>
      %dma_start3A_13 = arith.constant 0 : i32
      %dma_start3A_14 = tpu.memref_slice %arg6[%mul3A_2, %dma_start3A_13] : memref<1024x32xf32, #tpu.memory_space<hbm>> -> memref<32x32xf32, #tpu.memory_space<hbm>>
      %dma_start3A_15 = arith.constant 0 : i32
      %dma_start3A_16 = tpu.memref_slice %arg6[%mul3A_2, %dma_start3A_15] : memref<1024x32xf32, #tpu.memory_space<hbm>> -> memref<32x32xf32, #tpu.memory_space<hbm>>
      tpu.enqueue_dma source(%arg9 : memref<32x32xf32, #tpu.memory_space<vmem>>) target(%dma_start3A_16 : memref<32x32xf32, #tpu.memory_space<hbm>>) target_semaphore(%run_scoped3A : memref<!tpu.dma_semaphore, #tpu.memory_space<semaphore_mem>>)
      %dma_wait3A_17 = arith.constant 0 : i32
      %dma_wait3A_18 = tpu.memref_slice %arg6[%mul3A_2, %dma_wait3A_17] : memref<1024x32xf32, #tpu.memory_space<hbm>> -> memref<32x32xf32, #tpu.memory_space<hbm>>
      %dma_wait3A_19 = arith.constant 0 : i32
      %dma_wait3A_20 = tpu.memref_slice %arg6[%mul3A_2, %dma_wait3A_19] : memref<1024x32xf32, #tpu.memory_space<hbm>> -> memref<32x32xf32, #tpu.memory_space<hbm>>
      tpu.wait_dma2 semaphore(%run_scoped3A : memref<!tpu.dma_semaphore, #tpu.memory_space<semaphore_mem>>) src(%arg9 : memref<32x32xf32, #tpu.memory_space<vmem>>) dst(%dma_wait3A_20 : memref<32x32xf32, #tpu.memory_space<hbm>>)
      tpu.yield
    }) : () -> ()
    "tpu.region"() ({
      %run_scoped3A = tpu.sem_alloc : memref<!tpu.dma_semaphore, #tpu.memory_space<semaphore_mem>>
      %dma_start3A_13 = arith.constant 0 : i32
      %dma_start3A_14 = tpu.memref_slice %arg7[%mul3A_2, %dma_start3A_13] : memref<1024x32xf32, #tpu.memory_space<hbm>> -> memref<32x32xf32, #tpu.memory_space<hbm>>
      %dma_start3A_15 = arith.constant 0 : i32
      %dma_start3A_16 = tpu.memref_slice %arg7[%mul3A_2, %dma_start3A_15] : memref<1024x32xf32, #tpu.memory_space<hbm>> -> memref<32x32xf32, #tpu.memory_space<hbm>>
      tpu.enqueue_dma source(%arg11 : memref<32x32xf32, #tpu.memory_space<vmem>>) target(%dma_start3A_16 : memref<32x32xf32, #tpu.memory_space<hbm>>) target_semaphore(%run_scoped3A : memref<!tpu.dma_semaphore, #tpu.memory_space<semaphore_mem>>)
      %dma_wait3A_17 = arith.constant 0 : i32
      %dma_wait3A_18 = tpu.memref_slice %arg7[%mul3A_2, %dma_wait3A_17] : memref<1024x32xf32, #tpu.memory_space<hbm>> -> memref<32x32xf32, #tpu.memory_space<hbm>>
      %dma_wait3A_19 = arith.constant 0 : i32
      %dma_wait3A_20 = tpu.memref_slice %arg7[%mul3A_2, %dma_wait3A_19] : memref<1024x32xf32, #tpu.memory_space<hbm>> -> memref<32x32xf32, #tpu.memory_space<hbm>>
      tpu.wait_dma2 semaphore(%run_scoped3A : memref<!tpu.dma_semaphore, #tpu.memory_space<semaphore_mem>>) src(%arg11 : memref<32x32xf32, #tpu.memory_space<vmem>>) dst(%dma_wait3A_20 : memref<32x32xf32, #tpu.memory_space<hbm>>)
      tpu.yield
    }) : () -> ()
    return
  }
}

module attributes {stable_mosaic.version = 14 : i64} {
  func.func @_fused_body(%arg0: i32, %arg1: memref<1024x32xf32, #tpu.memory_space<vmem>>, %arg2: memref<1024x32xf32, #tpu.memory_space<vmem>>, %arg3: memref<1xf32, #tpu.memory_space<smem>>, %arg4: memref<1xf32, #tpu.memory_space<smem>>, %arg5: memref<128x16x1024xf32, #tpu.memory_space<vmem>>, %arg6: memref<1024x16xf32, #tpu.memory_space<vmem>>, %arg7: memref<1x1024xf32, #tpu.memory_space<vmem>>) attributes {dimension_semantics = [#tpu.dimension_semantics<arbitrary>], iteration_bounds = array<i64: 8>, scalar_prefetch = 0 : i64, scratch_operands = 2 : i64, tpu.core_type = #tpu.core_type<tc>, window_params = [{pipeline_mode = #tpu.pipeline_mode<synchronous>, transform_indices = @transform_0, window_bounds = array<i64: 1024, 32>}, {pipeline_mode = #tpu.pipeline_mode<synchronous>, transform_indices = @transform_1, window_bounds = array<i64: 1024, 32>}, {transform_indices = @transform_2, window_bounds = array<i64: 1>}, {transform_indices = @transform_3, window_bounds = array<i64: 1>}, {transform_indices = @transform_4, window_bounds = array<i64: 128, 16, 1024>}]} {
    %eq3A = arith.constant 0 : i32
    %eq3A_0 = arith.cmpi eq, %arg0, %eq3A : i32
    %convert_element_type3A = arith.extui %eq3A_0 : i1 to i32
    %cond3A = arith.constant 0 : i32
    %cond3A_1 = arith.cmpi ne, %convert_element_type3A, %cond3A : i32
    scf.if %cond3A_1 {
      %get3A_14 = arith.constant 0 : index
      %get3A_15 = arith.constant 0 : index
      %get3A_16 = vector.load %arg1[%get3A_14, %get3A_15] : memref<1024x32xf32, #tpu.memory_space<vmem>>, vector<1024x32xf32>
      %get3A_17 = arith.constant 0 : index
      %get3A_18 = arith.constant 0 : index
      %get3A_19 = vector.load %arg2[%get3A_17, %get3A_18] : memref<1024x32xf32, #tpu.memory_space<vmem>>, vector<1024x32xf32>
      %slice3A = vector.extract_strided_slice %get3A_16 {offsets = [0, 0], sizes = [1024, 16], strides = [1, 1]} : vector<1024x32xf32> to vector<1024x16xf32>
      %slice3A_20 = vector.extract_strided_slice %get3A_19 {offsets = [0, 0], sizes = [1024, 16], strides = [1, 1]} : vector<1024x32xf32> to vector<1024x16xf32>
      %sub3A = arith.subf %slice3A, %slice3A_20 : vector<1024x16xf32>
      %mul3A_21 = arith.constant 9.13917827 : f32
      %mul3A_22 = vector.broadcast %mul3A_21 : f32 to vector<1024x16xf32>
      %mul3A_23 = arith.mulf %sub3A, %mul3A_22 : vector<1024x16xf32>
      %slice3A_24 = vector.extract_strided_slice %get3A_16 {offsets = [0, 16], sizes = [1024, 16], strides = [1, 1]} : vector<1024x32xf32> to vector<1024x16xf32>
      %slice3A_25 = vector.extract_strided_slice %get3A_19 {offsets = [0, 16], sizes = [1024, 16], strides = [1, 1]} : vector<1024x32xf32> to vector<1024x16xf32>
      %sub3A_26 = arith.subf %slice3A_24, %slice3A_25 : vector<1024x16xf32>
      %mul3A_27 = arith.constant 9.13917827 : f32
      %mul3A_28 = vector.broadcast %mul3A_27 : f32 to vector<1024x16xf32>
      %mul3A_29 = arith.mulf %sub3A_26, %mul3A_28 : vector<1024x16xf32>
      %mul3A_30 = arith.mulf %mul3A_23, %mul3A_23 : vector<1024x16xf32>
      %mul3A_31 = arith.mulf %mul3A_29, %mul3A_29 : vector<1024x16xf32>
      %add3A_32 = arith.addf %mul3A_30, %mul3A_31 : vector<1024x16xf32>
      %sqrt3A = math.sqrt %add3A_32 : vector<1024x16xf32>
      %get3A_33 = arith.constant 0 : index
      %get3A_34 = memref.load %arg3[%get3A_33] : memref<1xf32, #tpu.memory_space<smem>>
      %mul3A_35 = vector.broadcast %get3A_34 : f32 to vector<1024x16xf32>
      %mul3A_36 = arith.mulf %sqrt3A, %mul3A_35 : vector<1024x16xf32>
      %sub3A_37 = arith.constant 9.000000e+00 : f32
      %sub3A_38 = vector.broadcast %sub3A_37 : f32 to vector<1024x16xf32>
      %sub3A_39 = arith.subf %mul3A_36, %sub3A_38 : vector<1024x16xf32>
      %swap3A_40 = arith.constant 0 : index
      %swap3A_41 = arith.constant 0 : index
      %swap3A_42 = vector.load %arg6[%swap3A_40, %swap3A_41] : memref<1024x16xf32, #tpu.memory_space<vmem>>, vector<1024x16xf32>
      tpu.vector_store %arg6[%swap3A_40, %swap3A_41], %sub3A_39 {strides = array<i32>} : memref<1024x16xf32, #tpu.memory_space<vmem>>, vector<1024x16xf32>,
      %cos3A = math.cos %mul3A_23 : vector<1024x16xf32>
      %cos3A_43 = math.cos %mul3A_29 : vector<1024x16xf32>
      %mul3A_44 = arith.mulf %cos3A, %cos3A_43 : vector<1024x16xf32>
      %reduce_sum3A = arith.constant dense<0.000000e+00> : vector<1024xf32>
      %reduce_sum3A_45 = vector.multi_reduction <add>, %mul3A_44, %reduce_sum3A [1] : vector<1024x16xf32> to vector<1024xf32>
      %get3A_46 = arith.constant 0 : index
      %get3A_47 = memref.load %arg4[%get3A_46] : memref<1xf32, #tpu.memory_space<smem>>
      %mul3A_48 = vector.broadcast %get3A_47 : f32 to vector<1024xf32>
      %mul3A_49 = arith.mulf %reduce_sum3A_45, %mul3A_48 : vector<1024xf32>
      %broadcast_in_dim3A_50 = vector.shape_cast %mul3A_49 : vector<1024xf32> to vector<1x1024xf32>
      %swap3A_51 = arith.constant 0 : index
      %swap3A_52 = arith.constant 0 : index
      %swap3A_53 = vector.load %arg7[%swap3A_51, %swap3A_52] : memref<1x1024xf32, #tpu.memory_space<vmem>>, vector<1x1024xf32>
      tpu.vector_store %arg7[%swap3A_51, %swap3A_52], %broadcast_in_dim3A_50 {strides = array<i32>} : memref<1x1024xf32, #tpu.memory_space<vmem>>, vector<1x1024xf32>,
    } else {
    }
    %mul3A = arith.constant 128 : i32
    %mul3A_2 = arith.muli %arg0, %mul3A : i32
    %get3A = arith.index_cast %mul3A_2 : i32 to index
    %get3A_3 = arith.constant 0 : index
    %get3A_4 = vector.load %arg6[%get3A, %get3A_3] : memref<1024x16xf32, #tpu.memory_space<vmem>>, vector<128x16xf32>
    %broadcast_in_dim3A = vector.shape_cast %get3A_4 : vector<128x16xf32> to vector<128x16x1xf32>
    %get3A_5 = arith.constant 0 : index
    %get3A_6 = arith.constant 0 : index
    %get3A_7 = vector.load %arg7[%get3A_5, %get3A_6] : memref<1x1024xf32, #tpu.memory_space<vmem>>, vector<1x1024xf32>
    %broadcast_in_dim3A_8 = vector.shape_cast %get3A_7 : vector<1x1024xf32> to vector<1x1x1024xf32>
    %add3A = vector.broadcast %broadcast_in_dim3A : vector<128x16x1xf32> to vector<128x16x1024xf32>
    %add3A_9 = vector.broadcast %broadcast_in_dim3A_8 : vector<1x1x1024xf32> to vector<128x16x1024xf32>
    %add3A_10 = arith.addf %add3A, %add3A_9 : vector<128x16x1024xf32>
    %swap3A = arith.constant 0 : index
    %swap3A_11 = arith.constant 0 : index
    %swap3A_12 = arith.constant 0 : index
    %swap3A_13 = vector.load %arg5[%swap3A, %swap3A_11, %swap3A_12] : memref<128x16x1024xf32, #tpu.memory_space<vmem>>, vector<128x16x1024xf32>
    tpu.vector_store %arg5[%swap3A, %swap3A_11, %swap3A_12], %add3A_10 {strides = array<i32>} : memref<128x16x1024xf32, #tpu.memory_space<vmem>>, vector<128x16x1024xf32>,
    return
  }
  func.func @transform_0(%arg0: i32) -> (i32, i32) {
    %c0_i32 = arith.constant 0 : i32
    %c0_i32_0 = arith.constant 0 : i32
    %c0_i32_1 = arith.constant 0 : i32
    return %c0_i32, %c0_i32_0 : i32, i32
  }
  func.func @transform_1(%arg0: i32) -> (i32, i32) {
    %c0_i32 = arith.constant 0 : i32
    %c0_i32_0 = arith.constant 0 : i32
    %c0_i32_1 = arith.constant 0 : i32
    return %c0_i32, %c0_i32_0 : i32, i32
  }
  func.func @transform_2(%arg0: i32) -> i32 {
    %c0_i32 = arith.constant 0 : i32
    %c0_i32_0 = arith.constant 0 : i32
    return %c0_i32 : i32
  }
  func.func @transform_3(%arg0: i32) -> i32 {
    %c0_i32 = arith.constant 0 : i32
    %c0_i32_0 = arith.constant 0 : i32
    return %c0_i32 : i32
  }
  func.func @transform_4(%arg0: i32) -> (i32, i32, i32) {
    %c0_i32 = arith.constant 0 : i32
    %c0_i32_0 = arith.constant 0 : i32
    %c0_i32_1 = arith.constant 0 : i32
    return %arg0, %c0_i32, %c0_i32_0 : i32, i32, i32
  }
}

</mosaic_0001>

<sc_bundles>
// kernel: kernel.4.cloned.1.call-start
scs
__scs_entry_jumppad:
0x0: {  	(pc) =	sbr.rel $0x88, $3  }
0x1: {  	(tag) =	ssettag $0x0;
	lr =	simm.s32 $0x1  }
0x2: {  	[smem:$0x3F9B] =	sst lr;
	_ =	strace $0xD0000000  }
0x3: {  	_ = 	snop  }
0x4: {  	_ = 	snop  }
0x5: {  	_ = 	snop  }
0x6: {  	_ = 	snop  }
0x7: {  	_ = 	snop  }
__scs_overlays_trampoline_lowered:
0x8: {  	[smem:$0x3FAA] =	sst s0  }
0x9: {  	[smem:$0x3FAB] =	sst s1  }
0xa: {  	[smem:$0x3FAC] =	sst s2  }
0xb: {  	[smem:$0x3FAD] =	sst s3  }
0xc: {  	[smem:$0x3FAE] =	sst s4  }
0xd: {  	[smem:$0x3FAF] =	sst s5  }
0xe: {  	[smem:$0x3FB0] =	sst s6  }
0xf: {  	[smem:$0x3FB1] =	sst s7  }
0x10: {  	[smem:$0x3FB2] =	sst s8  }
0x11: {  	[smem:$0x3FB3] =	sst s9;
	s0 =	simm.s32 @!p0 $0x0  }
0x12: {  	s1 =	sld [smem:$0x3F99];
	s0 =	simm.s32 @p0 $0x1  }
0x13: {  	[smem:$0x3FB4] =	sst s0;
	s0 =	simm.s32 @!p1 $0x0  }
0x14: {  	s2 =	sld [smem:$0x3F98];
	s0 =	simm.s32 @p1 $0x1  }
0x15: {  	[smem:$0x3FB5] =	sst s0;
	s0 =	simm.s32 @!p2 $0x0  }
0x16: {  	s3 =	sld [smem:$0x3FDB];
	s0 =	simm.s32 @p2 $0x1  }
0x17: {  	s4 =	simm.s32 $0x1BF5;
	[smem:$0x3FB7] =	sst s0  }
0x18: {  	s0 =	sld [smem:$0x3F9A];
	_ =	swait.ge [sflag:s4], $0x0  }
0x19: {  	s7 =	sld [smem:$0x3F9B]  }
0x1a: {  	s8 =	sadd.s32 $0xFFFFE003, lr  }
0x1b: {  	s9 =	sadd.s32 $0xFFFFFEF7, lr;
	s5 =	simm.s32 $0xFFFFFFFF;
	p2 =	slt.u32 s8, $0xFFFFF086  }
0x1c: {  	p1 =	slt.u32 s9, $0xF7A;
	s5 =	simm.s32 @!p2 $0x0  }
0x1d: {  	s5 =	simm.s32 @p1 $0x1;
	p0 =	seq.s32 s7, s2  }
0x1e: {  	s7 =	smul.u32 @!p0 $0xF7A, s2;
	p2 =	seq.s32 @!p0 s5, $0x0  }
0x1f: {  	s9 =	smul.u32 $0xF7A, s1;
	s8 =	simm.s32 @!p0 $0x1BF5;
	p2 =	por !p2, p0  }
0x20: {  	[sflag:s8] =	ssyncset.s32 @!p0 $0xFFFFF086;
	s6 =	sadd.s32 @!p0 s3, s7;
	s7 =	simm.s32 @!p0 $0x108  }
0x21: {  	s3 =	sadd.s32 s3, s9;
	s6 =	sadd.s32 @!p0 $0x88, s6;
	s7 =	simm.s32 @p2 $0x1082  }
0x22: {  	[simem:s7], [sflag:s8] =	dma.local @!p0 [hbm:s6], $0xF7A  }
0x23: {  	s9 =	sor.u32 $0xD0000000, s2;
	s6 =	simm.s32 $0x108;
	_ =	swait.ge @!p0 [sflag:s8], $0x0  }
0x24: {  	s3 =	sadd.s32 $0x88, s3;
	s6 =	simm.s32 @!p1 $0x1082;
	[sflag:s4] =	ssyncset.s32 $0xFFFFF086  }
0x25: {  	[simem:s6], [sflag:s4] =	dma.local [hbm:s3], $0xF7A  }
0x26: {  	[smem:$0x3F9B] =	sst s1;
	(tag) =	ssettag s2;
	_ =	strace s9  }
0x27: {  	s1 =	sld [smem:$0x3FAB]  }
0x28: {  	s2 =	sld [smem:$0x3FAC]  }
0x29: {  	s4 =	sld [smem:$0x3FAE]  }
0x2a: {  	p0 =	seq.s32 s5, $0x0;
	s5 =	sld [smem:$0x3FAF]  }
0x2b: {  	s6 =	sld [smem:$0x3FB0]  }
0x2c: {  	s7 =	sld [smem:$0x3FB1]  }
0x2d: {  	s3 =	simm.s32 $0x108;
	s8 =	sld [smem:$0x3FB2]  }
0x2e: {  	s3 =	simm.s32 @!p0 $0x1082;
	s9 =	sld [smem:$0x3FB3]  }
0x2f: {  	lr =	sadd.s32 s0, s3;
	s0 =	sld [smem:$0x3FAA]  }
0x30: {  	s3 =	sld [smem:$0x3FAD]  }
0x31: {  	[smem:$0x3FB6] =	sst s10  }
0x32: {  	s10 =	sld [smem:$0x3FB4];
	_ =	sdelay $0x3  }
0x33: {  	p0 =	seq.s32 s10, $0x1;
	s10 =	sld [smem:$0x3FB6];
	_ =	sdelay $0x3  }
0x34: {  	[smem:$0x3FB6] =	sst s10  }
0x35: {  	s10 =	sld [smem:$0x3FB5];
	_ =	sdelay $0x3  }
0x36: {  	p1 =	seq.s32 s10, $0x1;
	s10 =	sld [smem:$0x3FB6];
	_ =	sdelay $0x3  }
0x37: {  	[smem:$0x3FB6] =	sst s10  }
0x38: {  	s10 =	sld [smem:$0x3FB7]  }
0x39: {  	_ = 	snop;
	(pc) =	sbr.ind lr, $3  }
0x3a: {  	_ = 	snop  }
0x3b: {  	_ = 	snop  }
0x3c: {  	p2 =	seq.s32 s10, $0x1;
	s10 =	sld [smem:$0x3FB6]  }
0x3d: {  	_ =	shalt  }
0x3e: {  	_ =	shalt  }
0x3f: {  	_ =	shalt  }
0x40: {  	_ =	shalt  }
0x41: {  	_ =	shalt  }
0x42: {  	_ =	shalt  }
0x43: {  	_ =	shalt  }
0x44: {  	_ =	shalt  }
0x45: {  	_ =	shalt  }
0x46: {  	_ =	shalt  }
0x47: {  	_ =	shalt  }
0x48: {  	_ =	shalt  }
0x49: {  	_ =	shalt  }
0x4a: {  	_ =	shalt  }
0x4b: {  	_ =	shalt  }
0x4c: {  	_ =	shalt  }
0x4d: {  	_ =	shalt  }
0x4e: {  	_ =	shalt  }
0x4f: {  	_ =	shalt  }
0x50: {  	_ =	shalt  }
0x51: {  	_ =	shalt  }
0x52: {  	_ =	shalt  }
0x53: {  	_ =	shalt  }
0x54: {  	_ =	shalt  }
0x55: {  	_ =	shalt  }
0x56: {  	_ =	shalt  }
0x57: {  	_ =	shalt  }
0x58: {  	_ =	shalt  }
0x59: {  	_ =	shalt  }
0x5a: {  	_ =	shalt  }
0x5b: {  	_ =	shalt  }
0x5c: {  	_ =	shalt  }
0x5d: {  	_ =	shalt  }
0x5e: {  	_ =	shalt  }
0x5f: {  	_ =	shalt  }
0x60: {  	_ =	shalt  }
0x61: {  	_ =	shalt  }
0x62: {  	_ =	shalt  }
0x63: {  	_ =	shalt  }
0x64: {  	_ =	shalt  }
0x65: {  	_ =	shalt  }
0x66: {  	_ =	shalt  }
0x67: {  	_ =	shalt  }
0x68: {  	_ =	shalt  }
0x69: {  	_ =	shalt  }
0x6a: {  	_ =	shalt  }
0x6b: {  	_ =	shalt  }
0x6c: {  	_ =	shalt  }
0x6d: {  	_ =	shalt  }
0x6e: {  	_ =	shalt  }
0x6f: {  	_ =	shalt  }
0x70: {  	_ =	shalt  }
0x71: {  	_ =	shalt  }
0x72: {  	_ =	shalt  }
0x73: {  	_ =	shalt  }
0x74: {  	_ =	shalt  }
0x75: {  	_ =	shalt  }
0x76: {  	_ =	shalt  }
0x77: {  	_ =	shalt  }
0x78: {  	_ =	shalt  }
0x79: {  	_ =	shalt  }
0x7a: {  	_ =	shalt  }
0x7b: {  	_ =	shalt  }
0x7c: {  	_ =	shalt  }
0x7d: {  	_ =	shalt  }
0x7e: {  	_ =	shalt  }
0x7f: {  	_ =	shalt  }
0x80: {  	_ =	shalt  }
0x81: {  	_ =	shalt  }
0x82: {  	_ =	shalt  }
0x83: {  	_ =	shalt  }
0x84: {  	_ =	shalt  }
0x85: {  	_ =	shalt  }
0x86: {  	_ =	shalt  }
0x87: {  	_ =	shalt  }
.Lfunc_end0:
.L_simem_size_0:
called_computation_lowered:
.L_overlay_start_0:
0x88: {  	s2 =	sld [smem:$0x3FD9]  }
0x89: {  	s3 =	sld [smem:$0x3FFE];
	_ =	sdelay $0x1  }
0x8a: {  	s1 =	srdreg.scid  }
0x8b: {  	s0 =	sand.u32 $0x1, s1  }
0x8c: {  	s17 =	sshll.u32 s0, $0xA;
	s2 =	sadd.s32 s3, s2  }
0x8d: {  	s2 =	sadd.s32 s2, s17  }
0x8e: {  	[smem:$0x3FC2] =	sst s2  }
0x8f: {  	_ = 	snop  }
0x90: {  	s2 =	sld [smem:$0x3FC9]  }
0x91: {  	s18 =	sld [smem:$0x3FC8]  }
0x92: {  	s4 =	sld [smem:$0x3FD0];
	(tm) =	ssettm $0x1  }
0x93: {  	s5 =	sld [smem:$0x3FFB];
	_ =	sdelay $0x3  }
0x94: {  	_ =	strace s5  }
0x95: {  	s5 =	sld [smem:$0x3FFC];
	_ =	sdelay $0x3  }
0x96: {  	_ =	strace s5  }
0x97: {  	s5 =	sld [smem:$0x3FFD];
	_ =	sdelay $0x3  }
0x98: {  	_ =	strace s5  }
0x99: {  	_ =	strace $0x8FFFFFFF  }
0x9a: {  	s19 =	sld [smem:$0x3FDB];
	_ =	sdelay $0x1  }
0x9b: {  	s6 =	simm.s32 $_scs_section_size  }
0x9c: {  	s7 =	simm.s32 $_size__tile_overlayer_lowered;
	s8 =	simm.s32 $_tile_overlayer_lowered  }
0x9d: {  	s22 =	simm.s32 $0x1BFF;
	s21 =	sshll.u32 s8, $0x1;
	s5 =	sadd.s32 s6, s19  }
0x9e: {  	s9 =	simm.s32 $0x0;
	s20 =	sshll.u32 s7, $0x1;
	s7 =	sadd.s32 s21, s5  }
0x9f: {  	[timem:s9], [sflag:s22] =	dma.local [hbm:s7], s20  }
0xa0: {  	_ =	swait.ge [sflag:s22], s20  }
0xa1: {  	s6 =	ssub.s32 $0x0, s20;
	[sflag:s22] =	ssyncset.done $0x0  }
0xa2: {  	[sflag:s22] =	ssyncadd.s32 s6;
	_ =	sdelay $0x1  }
0xa3: {  	s23 =	simm.s32 $0x1B8B  }
0xa4: {  	_ =	swait.ge [sflag:s23], $0x1  }
0xa5: {  	[sflag:s23] =	ssyncset.done $0x0  }
0xa6: {  	s25 =	simm.s32 $0x1B8E;
	s24 =	sld [smem:$0x3FFE];
	[sflag:s23] =	ssyncadd.s32 $0xFFFFFFFF  }
0xa7: {  	s26 =	simm.s32 $execute0_lowered;
	[smem:$0x3FD2] =	sst s25  }
0xa8: {  	s7 =	sshll.u32 s26, $0x1;
	_ =	strace $0x80000046;
	[dreg:$0x1] =	wrdreg $0xFFFFFFFF  }
0xa9: {  	s28 =	simm.s32 $_size_execute0_lowered;
	s5 =	sadd.s32 s5, s7;
	[dreg:$0x0] =	wrdreg $0x0  }
0xaa: {  	s7 =	sshll.u32 s28, $0x1;
	[dreg:$0x2] =	wrdreg s5  }
0xab: {  	[dreg:$0x3] =	wrdreg s7  }
0xac: {  	[dreg:$0x4] =	wrdreg $0xC0  }
0xad: {  	_ =	task [dreg:s9], $0x5FFFF  }
0xae: {  	[dreg:$0x1] =	wrdreg $0xFFFFFFFF  }
0xaf: {  	[dreg:$0x0] =	wrdreg $0x60  }
0xb0: {  	[dreg:$0x2] =	wrdreg s2  }
0xb1: {  	[dreg:$0x3] =	wrdreg s18  }
0xb2: {  	[dreg:$0x4] =	wrdreg s24  }
0xb3: {  	[dreg:$0x5] =	wrdreg s4  }
0xb4: {  	[dreg:$0x6] =	wrdreg $0x9  }
0xb5: {  	_ =	task.clear_ibuf [dreg:s9], $0x7FFFF;
	_ =	strace $0x90000046  }
0xb6: {  	s29 =	simm.s32 $0x9;
	_ =	strace $0x80000048  }
0xb7: {  	_ =	swait.ge [sflag:s29], $0x1  }
0xb8: {  	[sflag:s29] =	ssyncadd.s32 $0xFFFFFFFF  }
0xb9: {  	_ =	strace $0x90000048  }
0xba: {  	_ =	sfence  }
0xbb: {  	s30 =	sld [smem:$0x0];
	_ =	sdelay $0x2  }
0xbc: {  	s31 =	sshll.u32 s1, $0xD;
	s1 =	sshrl.u32 s1, $0x2  }
0xbd: {  	s3 =	sand.u32 $0x4000, s31;
	s1 =	sadd.s32 s1, s30  }
0xbe: {  	s0 =	sor.u32 s3, s0;
	s1 =	sshll.u32 s1, $0x11  }
0xbf: {  	s0 =	sor.u32 s1, s0  }
0xc0: {  	s0 =	sadd.s32 $0x8F2B, s0  }
0xc1: {  	[sflag:s0] =	ssyncadd.remote.s32 $0x1  }
0xc2: {  	_ =	sfence.sel $0xFFFF  }
0xc3: {  	[dreg:$0x0] =	wrdreg $0xFFFFFFFF;
	(pc) =	sbr.abs _section_cstart, $3  }
0xc4: {  	[dreg:$0x1] =	wrdreg $0xFFFFFFFF  }
0xc5: {  	_ =	task.clear_ibuf [dreg:s9], $0x2FFFF;
	_ =	strace $0x9FFFFFFF  }
0xc6: {  	(tm) =	ssettm $0x7FFFFFFF  }
0xc7: {  	_ =	shalt  }
tec
execute0_lowered:
.L_overlay_start_1:
0x0: {  	(tag) =	ssettag $0x1  }
0x1: {  	s3 =	rddreg [dreg:$0x0]  }
0x2: {  	s5 =	rddreg [dreg:$0x1];
	s1 =	srdreg.scid  }
0x3: {  	s13 =	rddreg [dreg:$0x2];
	s0 =	stileid.u32;
	s12 =	sand.u32 $0x1, s1  }
0x4: {  	s14 =	rddreg [dreg:$0x3];
	s4 =	sshll.u32 s0, $0x6;
	s6 =	sshll.u32 s12, $0x5  }
0x5: {  	s2 =	simm.s32 $0x0;
	s1 =	rddreg [dreg:$0x4];
	s15 =	sor.u32 s6, s4  }
0x6: {  	[smem:$0x7FF] =	sst s2;
	s6 =	sshrl.u32 s15, $0x3  }
0x7: {  	_ =	strace $0x80000047;
	s4 =	sadd.s32 s3, s6;
	s3 =	simm.s32 $0x2  }
0x8: {  	[tilespmem:s2], [sflag:$0x2] =	stream.linear.gather [hbm4b:s4+s2], $0x20, $0x38;
	[tilespmem:$0x840] =	vst v63  }
0x9: {  	_ =	swait.ge [sflag:s3], $0x20  }
0xa: {  	[sflag:s3] =	ssyncset.done $0x0  }
0xb: {  	s5 =	sadd.s32 s5, s6;
	s6 =	simm.s32 $0x420;
	[sflag:s3] =	ssyncadd.s32 $0xFFFFFFE0  }
0xc: {  	[tilespmem:s6], [sflag:$0x2] =	stream.linear.gather [hbm4b:s5+s2], $0x20, $0x38;
	[tilespmem:$0x840] =	vst v63  }
0xd: {  	_ =	swait.ge [sflag:s3], $0x20  }
0xe: {  	[sflag:s3] =	ssyncset.done $0x0  }
0xf: {  	s8 =	simm.s32 $0x20;
	s7 =	sadd.s32 $0x1800, s13;
	[sflag:s3] =	ssyncadd.s32 $0xFFFFFFE0  }
0x10: {  	[tilespmem:s8], [sflag:$0x1] =	stream.indirect.gather [hbm4b:s7+s8], $0x20, s2, s8, $0xb8;
	[tilespmem:$0x840] =	vst v63  }
0x11: {  	s10 =	simm.s32 $0x440;
	s11 =	simm.s32 $0x1;
	s9 =	sadd.s32 $0x800, s13  }
0x12: {  	[tilespmem:s10], [sflag:$0x1] =	stream.indirect.gather [hbm4b:s9+s8], $0x20, s6, s8, $0xb8;
	[tilespmem:$0x840] =	vst v63  }
0x13: {  	_ =	swait.ge [sflag:s11], $0x400  }
0x14: {  	[sflag:s11] =	ssyncset.done $0x0  }
0x15: {  	s16 =	ssub.s32 $0x2, s12;
	[sflag:s11] =	ssyncadd.s32 $0xFFFFFC00  }
0x16: {  	s31 =	sshrl.u32 s16, $0x1;
	s15 =	sshll.u32 s15, $0x2;
	_ =	swait.ge [sflag:s11], $0x400  }
0x17: {  	s12 =	sadd.s32 s14, s15;
	s14 =	ssub.s32 s16, s31;
	[sflag:s11] =	ssyncset.done $0x0  }
0x18: {  	s14 =	smax.u32 s14, $0x1;
	[sflag:s11] =	ssyncadd.s32 $0xFFFFFC00  }
0x19: {  	[hbm4b:s12+s2] =	stream.linear.scatter [tilespmem:s8], [sflag:$0x2], $0x400, $0x38;
	[tilespmem:$0x840] =	vst v63  }
0x1a: {  	p0 =	sne.s32 s14, $0x1;
	_ =	swait.ge [sflag:s3], $0x400  }
.Ltmp0:
0x1b: {  	s13 =	sadd.s32 s15, s13;
	[sflag:s3] =	ssyncset.done $0x0;
	(pc) =	sbr.rel @!p0 .LBB2_2-.Ltmp0, $4  }
0x1c: {  	s13 =	sadd.s32 $0x63400, s13;
	[sflag:s3] =	ssyncadd.s32 $0xFFFFFC00  }
0x1d: {  	[hbm4b:s13+s2] =	stream.linear.scatter [tilespmem:s10], [sflag:$0x2], $0x400, $0x38;
	[tilespmem:$0x840] =	vst v63  }
0x1e: {  	_ =	swait.ge [sflag:s3], $0x400  }
0x1f: {  	s14 =	sadd.s32 $0xFFFFFFFF, s14;
	[sflag:s3] =	ssyncset.done $0x0  }
.LBB2_1:
0x20: {  	p0 =	sne.s32 s14, $0x1;
	s14 =	sadd.s32 $0xFFFFFFFF, s14;
	[sflag:s3] =	ssyncadd.s32 $0xFFFFFC00  }
0x21: {  	[tilespmem:s2], [sflag:$0x2] =	stream.linear.gather [hbm4b:s4+s2], $0x20, $0x38;
	[tilespmem:$0x840] =	vst v63  }
0x22: {  	_ =	swait.ge [sflag:s3], $0x20  }
0x23: {  	[sflag:s3] =	ssyncset.done $0x0  }
0x24: {  	[sflag:s3] =	ssyncadd.s32 $0xFFFFFFE0  }
0x25: {  	[tilespmem:s6], [sflag:$0x2] =	stream.linear.gather [hbm4b:s5+s2], $0x20, $0x38;
	[tilespmem:$0x840] =	vst v63  }
0x26: {  	_ =	swait.ge [sflag:s3], $0x20  }
0x27: {  	[sflag:s3] =	ssyncset.done $0x0  }
0x28: {  	[sflag:s3] =	ssyncadd.s32 $0xFFFFFFE0  }
0x29: {  	[tilespmem:s8], [sflag:$0x1] =	stream.indirect.gather [hbm4b:s7+s8], $0x20, s2, s8, $0xb8;
	[tilespmem:$0x840] =	vst v63  }
0x2a: {  	_ = 	snop  }
0x2b: {  	[tilespmem:s10], [sflag:$0x1] =	stream.indirect.gather [hbm4b:s9+s8], $0x20, s6, s8, $0xb8;
	[tilespmem:$0x840] =	vst v63  }
0x2c: {  	_ =	swait.ge [sflag:s11], $0x400  }
0x2d: {  	[sflag:s11] =	ssyncset.done $0x0  }
0x2e: {  	[sflag:s11] =	ssyncadd.s32 $0xFFFFFC00  }
0x2f: {  	_ =	swait.ge [sflag:s11], $0x400  }
0x30: {  	[sflag:s11] =	ssyncset.done $0x0  }
0x31: {  	[sflag:s11] =	ssyncadd.s32 $0xFFFFFC00  }
0x32: {  	[hbm4b:s12+s2] =	stream.linear.scatter [tilespmem:s8], [sflag:$0x2], $0x400, $0x38;
	[tilespmem:$0x840] =	vst v63  }
0x33: {  	_ =	swait.ge [sflag:s3], $0x400  }
.Ltmp1:
0x34: {  	[sflag:s3] =	ssyncset.done $0x0;
	(pc) =	sbr.rel @p0 .LBB2_1-.Ltmp1, $4  }
0x35: {  	[sflag:s3] =	ssyncadd.s32 $0xFFFFFC00  }
0x36: {  	[hbm4b:s13+s2] =	stream.linear.scatter [tilespmem:s10], [sflag:$0x2], $0x400, $0x38;
	[tilespmem:$0x840] =	vst v63  }
0x37: {  	_ =	swait.ge [sflag:s3], $0x400  }
0x38: {  	[sflag:s3] =	ssyncset.done $0x0  }
.LBB2_2:
0x39: {  	[sflag:s3] =	ssyncadd.s32 $0xFFFFFC00  }
0x3a: {  	_ =	sfence.sel $0x180000  }
0x3b: {  	[bflag:$0x0] =	sbarrier.arrive $0xFFFF  }
0x3c: {  	p0 =	sne.s32 s0, $0x0;
	_ =	strace $0x90000047  }
0x3d: {  	s0 =	sadd.s32 @!p0 $0x100000, s1;
	[bflag:$0x2] =	sbarrier.arrive $0xFFFF  }
0x3e: {  	[sflag:s0] =	ssyncadd.tile.s32 @!p0 $0x1;
	_ =	shalt  }
.Lfunc_end2:
_tile_overlayer_lowered:
.L_overlay_start_2:
0x3f: {  	(tag) =	ssettag $0x2  }
0x40: {  	s0 =	rddreg [dreg:$0x0];
	s2 =	stileid.u32  }
0x41: {  	s1 =	rddreg [dreg:$0x1];
	p0 =	sne.s32 s2, $0x0  }
0x42: {  	s3 =	rddreg [dreg:$0x2];
	[bflag:$0x3] =	sbarrier.arrive $0xFFFF;
	s2 =	simm.s32 @!p0 $0x1C02  }
0x43: {  	[timem:s3], [sflag:s2] =	dma.local @!p0 [hbm:s0], s1  }
0x44: {  	s0 =	simm.s32 @!p0 $0x2  }
0x45: {  	_ =	swait.ge @!p0 [sflag:s0], s1  }
0x46: {  	s1 =	ssub.s32 @!p0 $0x0, s1;
	[sflag:s0] =	ssyncset.done @!p0 $0x0  }
0x47: {  	[sflag:s0] =	ssyncadd.s32 @!p0 s1  }
0x48: {  	[bflag:$0x3] =	sbarrier.arrive $0xFFFF  }
0x49: {  	_ =	shalt  }

</sc_bundles>
